<compile_context>
chip_gen: v7x
topology: tpu7x:2x2x1
jax: 0.10.2.dev20260603
libtpu: 0.0.44.dev20260713+nightly
codegen_flags: <defaults>
</compile_context>

<pallas_src>
import functools

import jax
import jax.numpy as jnp
from jax import lax
from jax.experimental import pallas as pl
from jax.experimental.pallas import tpu as pltpu
from jax.experimental.pallas import tpu_sc as plsc

B, T, Cn, Cc, V, D = 1024, 50, 16, 26, 100000, 32
N = B * T
CP = 28
NC, NS = 2, 16
NW = NC * NS
TOK_W = N // NW
NPASS = 2
TOKP = TOK_W // NPASS
CH = 80
NCHUNK = TOKP // CH
NSTREAM = Cc * NCHUNK
NGRP = TOKP // 16
VB = 14336
NVB = -(-V // VB)
VOUT = NVB * VB


NJ = CP * D // 128


def _tc_relayout(t832):

    def body(t_ref, o_ref):
        o_ref[...] = t_ref[...].T

    return pl.pallas_call(
        body,
        grid=(NJ, NVB),
        in_specs=[pl.BlockSpec((128, VB), lambda j, i: (j, i))],
        out_specs=pl.BlockSpec((VB, 128), lambda j, i: (j * NVB + i, 0)),
        out_shape=jax.ShapeDtypeStruct((NJ * VOUT, 128), jnp.float32),
    )(t832)


def _sc_embed_sum(tables_flat, xcat2):
    mesh = plsc.VectorSubcoreMesh(core_axis_name="c", subcore_axis_name="s")

    @functools.partial(
        pl.kernel,
        mesh=mesh,
        out_type=jax.ShapeDtypeStruct((N, D), jnp.float32),
        compiler_params=pltpu.CompilerParams(
            use_tc_tiling_on_sc=False, needs_layout_passes=False
        ),
        scratch_types=[
            pltpu.VMEM((TOKP, Cc), jnp.int32),
            pltpu.VMEM((NPASS, Cc, TOKP), jnp.int32),
            pltpu.VMEM((TOK_W, D), jnp.float32),
            pltpu.SemaphoreType.DMA,
        ],
    )
    def k(tab_hbm, idx_hbm, out_hbm, tm_v, fm_v, acc_v, sem):
        wid = lax.axis_index("s") * NC + lax.axis_index("c")
        base = wid * TOK_W

        zero = jnp.zeros((16,), jnp.float32)

        def zero_body(n, c2):
            acc_v[n, pl.ds(0, 16)] = zero
            acc_v[n, pl.ds(16, 16)] = zero
            return c2

        lax.fori_loop(0, TOK_W, zero_body, 0)

        row_pat = lax.iota(jnp.int32, 16)

        for p in range(NPASS):
            pbase = base + p * TOKP
            pltpu.sync_copy(idx_hbm.at[pl.ds(pbase, TOKP)], tm_v)

            def tr_body(c, c2):
                col = jnp.full((16,), 0, jnp.int32) + c
                coff = (c // 4) * (4 * VOUT) + (c % 4)

                def tr_inner(g, c3):
                    rows = row_pat + g * 16
                    vals = plsc.load_gather(tm_v, [rows, col])
                    fm_v[p, c, pl.ds(g * 16, 16)] = vals * 4 + coff
                    return c3

                lax.fori_loop(0, NGRP, tr_inner, 0)
                return c2

            lax.fori_loop(0, Cc, tr_body, 0)

            def fire_body(s, c2):
                c = s // NCHUNK
                ci = s % NCHUNK
                pltpu.async_copy(
                    tab_hbm.at[fm_v.at[p, c, pl.ds(ci * CH, CH)]],
                    acc_v.at[pl.ds(p * TOKP + ci * CH, CH)],
                    sem,
                    add=True,
                )
                return c2

            lax.fori_loop(0, NSTREAM, fire_body, 0)

        def drain_body(s, c2):
            pltpu.make_async_copy(
                tab_hbm.at[fm_v.at[0, 0, pl.ds(0, CH)]],
                acc_v.at[pl.ds(0, CH)],
                sem,
            ).wait()
            return c2

        lax.fori_loop(0, NPASS * NSTREAM, drain_body, 0)

        pltpu.sync_copy(acc_v, out_hbm.at[pl.ds(base, TOK_W)])

    return k(tables_flat, xcat2)


def _tc_finish(x_num2, W_num, b_num2, cat_sum, gamma2, beta2):
    BLK = 2048

    def body(x_ref, w_ref, b_ref, s_ref, g_ref, bt_ref, o_ref):
        num = jnp.dot(x_ref[...], w_ref[...], preferred_element_type=jnp.float32)
        x = num + b_ref[...] + s_ref[...] * (1.0 / Cc)
        m = jnp.mean(x, axis=-1, keepdims=True)
        v = jnp.mean((x - m) ** 2, axis=-1, keepdims=True)
        o_ref[...] = (x - m) * lax.rsqrt(v + 1e-5) * g_ref[...] + bt_ref[...]

    return pl.pallas_call(
        body,
        grid=(N // BLK,),
        in_specs=[
            pl.BlockSpec((BLK, Cn), lambda i: (i, 0)),
            pl.BlockSpec((Cn, D), lambda i: (0, 0)),
            pl.BlockSpec((1, D), lambda i: (0, 0)),
            pl.BlockSpec((BLK, D), lambda i: (i, 0)),
            pl.BlockSpec((1, D), lambda i: (0, 0)),
            pl.BlockSpec((1, D), lambda i: (0, 0)),
        ],
        out_specs=pl.BlockSpec((BLK, D), lambda i: (i, 0)),
        out_shape=jax.ShapeDtypeStruct((N, D), jnp.float32),
    )(x_num2, W_num, b_num2, cat_sum, gamma2, beta2)


def kernel(x_num, x_cat, W_num, b_num, tables, gamma, beta):
    xcat2 = x_cat.astype(jnp.int32).reshape(N, Cc)
    t832 = jnp.transpose(tables, (0, 2, 1)).reshape(Cc * D, V)
    tabf = _tc_relayout(t832).reshape(4 * NJ * VOUT, D)
    cat_sum = _sc_embed_sum(tabf, xcat2)
    out = _tc_finish(
        x_num.reshape(N, Cn),
        W_num,
        b_num.reshape(1, D),
        cat_sum,
        gamma.reshape(1, D),
        beta.reshape(1, D),
    )
    return out.reshape(B, T, D)

# --- scband reference (transcript-rebuilt; emitter-appended) ---
"""Pipeline reference for scband-temporal-embedding-29497835389050 (READ-ONLY COPY).

The authoritative reference and input builder live on the scoring server;
editing this copy changes nothing except your own understanding.
"""

import jax, jax.numpy as jnp
import numpy as np

B, T, Cn, Cc, V, D = 1024, 50, 16, 26, 100000, 32

def setup_inputs(seed: int = 0) -> dict:
    key = jax.random.key(seed)
    ks = jax.random.split(key, 6)
    x_num = jax.random.normal(ks[0], (B, T, Cn), dtype=jnp.float32)
    x_cat = jax.random.randint(ks[1], (B, T, Cc), 0, 99999)
    W_num = jax.random.normal(ks[2], (Cn, D), dtype=jnp.float32) * 0.05
    b_num = jnp.zeros((D,), dtype=jnp.float32)
    tables = jax.random.normal(ks[3], (Cc, V, D), dtype=jnp.float32) * 0.02
    tables = tables.at[:, V - 1, :].set(0.0)  # padding_idx rows zeroed, as in torch
    gamma = jnp.ones((D,), dtype=jnp.float32)
    beta = jnp.zeros((D,), dtype=jnp.float32)
    return {"x_num": x_num, "x_cat": x_cat, "W_num": W_num, "b_num": b_num,
            "tables": tables, "gamma": gamma, "beta": beta}

def _layernorm(x, gamma, beta, eps=1e-5):
    m = jnp.mean(x, axis=-1, keepdims=True)
    v = jnp.mean((x - m) ** 2, axis=-1, keepdims=True)
    return (x - m) / jnp.sqrt(v + eps) * gamma + beta

def reference(x_num, x_cat, W_num, b_num, tables, gamma, beta):
    # numerical projection: (B, T, Cn) @ (Cn, D) + b
    num_emb = jnp.einsum('btc,cd->btd', x_num, W_num) + b_num
    # per-field embedding gather: tables[i][x_cat[..., i]] for each of Cc fields
    idx = jnp.moveaxis(x_cat, -1, 0)  # (Cc, B, T)
    gathered = jax.vmap(lambda tab, ix: jnp.take(tab, ix, axis=0))(tables, idx)  # (Cc, B, T, D)
    cat_mean = jnp.mean(gathered, axis=0)  # (B, T, D)
    emb = _layernorm(num_emb + cat_mean, gamma, beta)
    return emb

if __name__ == "__main__":
    import jax
    _d = setup_inputs()
    print(jax.jit(kernel)(*tuple(_d.values())))

</pallas_src>

<mosaic_0001>
#map = affine_map<(d0, d1) -> (0, 0)>
module attributes {stable_mosaic.version = 14 : i64} {
  func.func @k(%arg0: i32, %arg1: i32, %arg2: memref<2809856x32xf32, #tpu.memory_space<hbm>>, %arg3: memref<51200x26xi32, #tpu.memory_space<hbm>>, %arg4: memref<51200x32xf32, #tpu.memory_space<hbm>>, %arg5: memref<800x26xi32, #tpu.memory_space<vmem>>, %arg6: memref<2x26x800xi32, #tpu.memory_space<vmem>>, %arg7: memref<1600x32xf32, #tpu.memory_space<vmem>>, %arg8: memref<!tpu.dma_semaphore, #tpu.memory_space<semaphore_mem>>) attributes {dimension_semantics = [#tpu.dimension_semantics<core_parallel>, #tpu.dimension_semantics<subcore_parallel>], iteration_bounds = array<i64: 2, 16>, scalar_prefetch = 0 : i64, scratch_operands = 4 : i64, tpu.core_type = #tpu.core_type<sc_vector_subcore>, window_params = [{transform_indices = #map}, {transform_indices = #map}, {transform_indices = #map}]} {
    %mul3A = arith.constant 2 : i32
    %mul3A_0 = arith.muli %arg1, %mul3A : i32
    %add3A = arith.addi %mul3A_0, %arg0 : i32
    %mul3A_1 = arith.constant 1600 : i32
    %mul3A_2 = arith.muli %add3A, %mul3A_1 : i32
    %broadcast_in_dim3A = arith.constant 0.000000e+00 : f32
    %broadcast_in_dim3A_3 = vector.broadcast %broadcast_in_dim3A : f32 to vector<16xf32>
    %scan3A = arith.constant 0 : i32
    %scan3A_4 = arith.constant 0 : i32
    %scan3A_5 = arith.constant 1600 : i32
    %scan3A_6 = arith.addi %scan3A_4, %scan3A_5 : i32
    %scan3A_7 = arith.constant 1 : i32
    scf.for %scan3A_43 = %scan3A_4 to %scan3A_6 step %scan3A_7  : i32 {
      %swap3A = arith.index_cast %scan3A_43 : i32 to index
      %swap3A_44 = arith.constant 0 : index
      %swap3A_45 = tpu.vector_load %arg7[%swap3A, %swap3A_44] {strides = array<i32>} : memref<1600x32xf32, #tpu.memory_space<vmem>>, vector<16xf32>,
      tpu.vector_store %arg7[%swap3A, %swap3A_44], %broadcast_in_dim3A_3 {strides = array<i32>} : memref<1600x32xf32, #tpu.memory_space<vmem>>, vector<16xf32>,
      %swap3A_46 = arith.index_cast %scan3A_43 : i32 to index
      %swap3A_47 = arith.constant 16 : index
      %swap3A_48 = tpu.vector_load %arg7[%swap3A_46, %swap3A_47] {strides = array<i32>} : memref<1600x32xf32, #tpu.memory_space<vmem>>, vector<16xf32>,
      tpu.vector_store %arg7[%swap3A_46, %swap3A_47], %broadcast_in_dim3A_3 {strides = array<i32>} : memref<1600x32xf32, #tpu.memory_space<vmem>>, vector<16xf32>,
    }
    %scan3A_8 = arith.constant 1600 : i32
    %iota3A = tpu.iota {dimensions = array<i32: 0>} : vector<16xi32>
    %add3A_9 = arith.constant 0 : i32
    %add3A_10 = arith.addi %mul3A_2, %add3A_9 : i32
    "tpu.region"() ({
      %run_scoped3A = tpu.sem_alloc : memref<!tpu.dma_semaphore, #tpu.memory_space<semaphore_mem>>
      %dma_start3A = arith.constant 0 : i32
      %dma_start3A_43 = tpu.memref_slice %arg3[%add3A_10, %dma_start3A] : memref<51200x26xi32, #tpu.memory_space<hbm>> -> memref<800x26xi32, #tpu.memory_space<hbm>>
      %dma_start3A_44 = arith.constant 0 : i32
      %dma_start3A_45 = tpu.memref_slice %arg3[%add3A_10, %dma_start3A_44] : memref<51200x26xi32, #tpu.memory_space<hbm>> -> memref<800x26xi32, #tpu.memory_space<hbm>>
      tpu.enqueue_dma source(%dma_start3A_45 : memref<800x26xi32, #tpu.memory_space<hbm>>) target(%arg5 : memref<800x26xi32, #tpu.memory_space<vmem>>) target_semaphore(%run_scoped3A : memref<!tpu.dma_semaphore, #tpu.memory_space<semaphore_mem>>)
      %dma_wait3A = arith.constant 0 : i32
      %dma_wait3A_46 = tpu.memref_slice %arg3[%add3A_10, %dma_wait3A] : memref<51200x26xi32, #tpu.memory_space<hbm>> -> memref<800x26xi32, #tpu.memory_space<hbm>>
      %dma_wait3A_47 = arith.constant 0 : i32
      %dma_wait3A_48 = tpu.memref_slice %arg3[%add3A_10, %dma_wait3A_47] : memref<51200x26xi32, #tpu.memory_space<hbm>> -> memref<800x26xi32, #tpu.memory_space<hbm>>
      tpu.wait_dma2 semaphore(%run_scoped3A : memref<!tpu.dma_semaphore, #tpu.memory_space<semaphore_mem>>) src(%dma_wait3A_48 : memref<800x26xi32, #tpu.memory_space<hbm>>) dst(%arg5 : memref<800x26xi32, #tpu.memory_space<vmem>>)
      tpu.yield
    }) : () -> ()
    %scan3A_11 = arith.constant 0 : i32
    %scan3A_12 = arith.constant 0 : i32
    %scan3A_13 = arith.constant 26 : i32
    %scan3A_14 = arith.addi %scan3A_12, %scan3A_13 : i32
    %scan3A_15 = arith.constant 1 : i32
    scf.for %scan3A_43 = %scan3A_12 to %scan3A_14 step %scan3A_15  : i32 {
      %broadcast_in_dim3A_44 = arith.constant 0 : i32
      %broadcast_in_dim3A_45 = vector.broadcast %broadcast_in_dim3A_44 : i32 to vector<16xi32>
      %add3A_46 = vector.broadcast %scan3A_43 : i32 to vector<16xi32>
      %add3A_47 = arith.addi %broadcast_in_dim3A_45, %add3A_46 : vector<16xi32>
      %jit3A = arith.constant 4 : i32
      %div3A = arith.divsi %scan3A_43, %jit3A : i32
      %sign3A = arith.constant 0 : i32
      %sign3A_48 = arith.cmpi sgt, %scan3A_43, %sign3A : i32
      %sign3A_49 = arith.extui %sign3A_48 : i1 to i32
      %sign3A_50 = arith.constant 0 : i32
      %sign3A_51 = arith.cmpi slt, %scan3A_43, %sign3A_50 : i32
      %sign3A_52 = arith.extui %sign3A_51 : i1 to i32
      %sign3A_53 = arith.subi %sign3A_49, %sign3A_52 : i32
      %sign3A_54 = arith.constant 0 : i32
      %sign3A_55 = arith.cmpi sgt, %jit3A, %sign3A_54 : i32
      %sign3A_56 = arith.extui %sign3A_55 : i1 to i32
      %sign3A_57 = arith.constant 0 : i32
      %sign3A_58 = arith.cmpi slt, %jit3A, %sign3A_57 : i32
      %sign3A_59 = arith.extui %sign3A_58 : i1 to i32
      %sign3A_60 = arith.subi %sign3A_56, %sign3A_59 : i32
      %ne3A = arith.cmpi ne, %sign3A_53, %sign3A_60 : i32
      %rem3A = arith.remsi %scan3A_43, %jit3A : i32
      %ne3A_61 = arith.constant 0 : i32
      %ne3A_62 = arith.cmpi ne, %rem3A, %ne3A_61 : i32
      %and3A = arith.andi %ne3A, %ne3A_62 : i1
      %sub3A = arith.constant 1 : i32
      %sub3A_63 = arith.subi %div3A, %sub3A : i32
      %select_n3A = arith.select %and3A, %sub3A_63, %div3A : i32
      %mul3A_64 = arith.constant 401408 : i32
      %mul3A_65 = arith.muli %select_n3A, %mul3A_64 : i32
      %jit3A_66 = arith.constant 4 : i32
      %eq3A = arith.constant 0 : i32
      %eq3A_67 = arith.cmpi eq, %jit3A_66, %eq3A : i32
      %jit3A_68 = arith.constant 1 : i32
      %select_n3A_69 = arith.select %eq3A_67, %jit3A_68, %jit3A_66 : i32
      %rem3A_70 = arith.remsi %scan3A_43, %select_n3A_69 : i32
      %ne3A_71 = arith.constant 0 : i32
      %ne3A_72 = arith.cmpi ne, %rem3A_70, %ne3A_71 : i32
      %lt3A = arith.constant 0 : i32
      %lt3A_73 = arith.cmpi slt, %rem3A_70, %lt3A : i32
      %lt3A_74 = arith.constant 0 : i32
      %lt3A_75 = arith.cmpi slt, %select_n3A_69, %lt3A_74 : i32
      %ne3A_76 = arith.xori %lt3A_73, %lt3A_75 : i1
      %and3A_77 = arith.andi %ne3A_76, %ne3A_72 : i1
      %add3A_78 = arith.addi %rem3A_70, %select_n3A_69 : i32
      %select_n3A_79 = arith.select %and3A_77, %add3A_78, %rem3A_70 : i32
      %add3A_80 = arith.addi %mul3A_65, %select_n3A_79 : i32
      %scan3A_81 = arith.constant 0 : i32
      %scan3A_82 = arith.constant 0 : i32
      %scan3A_83 = arith.constant 50 : i32
      %scan3A_84 = arith.addi %scan3A_82, %scan3A_83 : i32
      %scan3A_85 = arith.constant 1 : i32
      scf.for %scan3A_87 = %scan3A_82 to %scan3A_84 step %scan3A_85  : i32 {
        %mul3A_88 = arith.constant 16 : i32
        %mul3A_89 = arith.muli %scan3A_87, %mul3A_88 : i32
        %add3A_90 = vector.broadcast %mul3A_89 : i32 to vector<16xi32>
        %add3A_91 = arith.addi %iota3A, %add3A_90 : vector<16xi32>
        %gather3A = tpu.vector_load_idx %arg5[%add3A_91, %add3A_47] : memref<800x26xi32, #tpu.memory_space<vmem>>[vector<16xi32>, vector<16xi32>], vector<16xi32>,
        %mul3A_92 = arith.constant 4 : i32
        %mul3A_93 = vector.broadcast %mul3A_92 : i32 to vector<16xi32>
        %mul3A_94 = arith.muli %gather3A, %mul3A_93 : vector<16xi32>
        %add3A_95 = vector.broadcast %add3A_80 : i32 to vector<16xi32>
        %add3A_96 = arith.addi %mul3A_94, %add3A_95 : vector<16xi32>
        %mul3A_97 = arith.constant 16 : i32
        %mul3A_98 = arith.muli %scan3A_87, %mul3A_97 : i32
        %swap3A = arith.constant 0 : i32
        %swap3A_99 = arith.index_cast %swap3A : i32 to index
        %swap3A_100 = arith.index_cast %scan3A_43 : i32 to index
        %swap3A_101 = arith.index_cast %mul3A_98 : i32 to index
        %swap3A_102 = tpu.vector_load %arg6[%swap3A_99, %swap3A_100, %swap3A_101] {strides = array<i32>} : memref<2x26x800xi32, #tpu.memory_space<vmem>>, vector<16xi32>,
        tpu.vector_store %arg6[%swap3A_99, %swap3A_100, %swap3A_101], %add3A_96 {strides = array<i32>} : memref<2x26x800xi32, #tpu.memory_space<vmem>>, vector<16xi32>,
      }
      %scan3A_86 = arith.constant 50 : i32
    }
    %scan3A_16 = arith.constant 26 : i32
    %scan3A_17 = arith.constant 0 : i32
    %scan3A_18 = arith.constant 0 : i32
    %scan3A_19 = arith.constant 260 : i32
    %scan3A_20 = arith.addi %scan3A_18, %scan3A_19 : i32
    %scan3A_21 = arith.constant 1 : i32
    scf.for %scan3A_43 = %scan3A_18 to %scan3A_20 step %scan3A_21  : i32 {
      %jit3A = arith.constant 10 : i32
      %div3A = arith.divsi %scan3A_43, %jit3A : i32
      %sign3A = arith.constant 0 : i32
      %sign3A_44 = arith.cmpi sgt, %scan3A_43, %sign3A : i32
      %sign3A_45 = arith.extui %sign3A_44 : i1 to i32
      %sign3A_46 = arith.constant 0 : i32
      %sign3A_47 = arith.cmpi slt, %scan3A_43, %sign3A_46 : i32
      %sign3A_48 = arith.extui %sign3A_47 : i1 to i32
      %sign3A_49 = arith.subi %sign3A_45, %sign3A_48 : i32
      %sign3A_50 = arith.constant 0 : i32
      %sign3A_51 = arith.cmpi sgt, %jit3A, %sign3A_50 : i32
      %sign3A_52 = arith.extui %sign3A_51 : i1 to i32
      %sign3A_53 = arith.constant 0 : i32
      %sign3A_54 = arith.cmpi slt, %jit3A, %sign3A_53 : i32
      %sign3A_55 = arith.extui %sign3A_54 : i1 to i32
      %sign3A_56 = arith.subi %sign3A_52, %sign3A_55 : i32
      %ne3A = arith.cmpi ne, %sign3A_49, %sign3A_56 : i32
      %rem3A = arith.remsi %scan3A_43, %jit3A : i32
      %ne3A_57 = arith.constant 0 : i32
      %ne3A_58 = arith.cmpi ne, %rem3A, %ne3A_57 : i32
      %and3A = arith.andi %ne3A, %ne3A_58 : i1
      %sub3A = arith.constant 1 : i32
      %sub3A_59 = arith.subi %div3A, %sub3A : i32
      %select_n3A = arith.select %and3A, %sub3A_59, %div3A : i32
      %jit3A_60 = arith.constant 10 : i32
      %eq3A = arith.constant 0 : i32
      %eq3A_61 = arith.cmpi eq, %jit3A_60, %eq3A : i32
      %jit3A_62 = arith.constant 1 : i32
      %select_n3A_63 = arith.select %eq3A_61, %jit3A_62, %jit3A_60 : i32
      %rem3A_64 = arith.remsi %scan3A_43, %select_n3A_63 : i32
      %ne3A_65 = arith.constant 0 : i32
      %ne3A_66 = arith.cmpi ne, %rem3A_64, %ne3A_65 : i32
      %lt3A = arith.constant 0 : i32
      %lt3A_67 = arith.cmpi slt, %rem3A_64, %lt3A : i32
      %lt3A_68 = arith.constant 0 : i32
      %lt3A_69 = arith.cmpi slt, %select_n3A_63, %lt3A_68 : i32
      %ne3A_70 = arith.xori %lt3A_67, %lt3A_69 : i1
      %and3A_71 = arith.andi %ne3A_70, %ne3A_66 : i1
      %add3A_72 = arith.addi %rem3A_64, %select_n3A_63 : i32
      %select_n3A_73 = arith.select %and3A_71, %add3A_72, %rem3A_64 : i32
      %mul3A_74 = arith.constant 80 : i32
      %mul3A_75 = arith.muli %select_n3A_73, %mul3A_74 : i32
      %mul3A_76 = arith.constant 80 : i32
      %mul3A_77 = arith.muli %select_n3A_73, %mul3A_76 : i32
      %add3A_78 = arith.constant 0 : i32
      %add3A_79 = arith.addi %add3A_78, %mul3A_77 : i32
      %dma_start3A = arith.constant 0 : i32
      %dma_start3A_80 = arith.constant 0 : i32
      %dma_start3A_81 = tpu.memref_slice %arg7[%add3A_79, %dma_start3A_80] : memref<1600x32xf32, #tpu.memory_space<vmem>> -> memref<80x32xf32, #tpu.memory_space<vmem>>
      %dma_start3A_82 = tpu.memref_slice %arg6[%dma_start3A, %select_n3A, %mul3A_75] : memref<2x26x800xi32, #tpu.memory_space<vmem>> -> memref<1x1x80xi32, #tpu.memory_space<vmem>>
      %dma_start3A_83 = tpu.memref_squeeze %dma_start3A_82 : memref<1x1x80xi32, #tpu.memory_space<vmem>> -> memref<80xi32, #tpu.memory_space<vmem>>
      %dma_start3A_84 = arith.constant 0 : i32
      %dma_start3A_85 = arith.constant 0 : i32
      %dma_start3A_86 = tpu.memref_slice %arg2[%dma_start3A_84, %dma_start3A_85] : memref<2809856x32xf32, #tpu.memory_space<hbm>> -> memref<2809856x32xf32, #tpu.memory_space<hbm>>
      tpu.enqueue_indirect_dma source(%dma_start3A_86 : memref<2809856x32xf32, #tpu.memory_space<hbm>>) target(%dma_start3A_81 : memref<80x32xf32, #tpu.memory_space<vmem>>) offsets(%dma_start3A_83 : memref<80xi32, #tpu.memory_space<vmem>>) semaphore(%arg8 : memref<!tpu.dma_semaphore, #tpu.memory_space<semaphore_mem>>) {add = true}
    }
    %scan3A_22 = arith.constant 260 : i32
    %add3A_23 = arith.constant 800 : i32
    %add3A_24 = arith.addi %mul3A_2, %add3A_23 : i32
    "tpu.region"() ({
      %run_scoped3A = tpu.sem_alloc : memref<!tpu.dma_semaphore, #tpu.memory_space<semaphore_mem>>
      %dma_start3A = arith.constant 0 : i32
      %dma_start3A_43 = tpu.memref_slice %arg3[%add3A_24, %dma_start3A] : memref<51200x26xi32, #tpu.memory_space<hbm>> -> memref<800x26xi32, #tpu.memory_space<hbm>>
      %dma_start3A_44 = arith.constant 0 : i32
      %dma_start3A_45 = tpu.memref_slice %arg3[%add3A_24, %dma_start3A_44] : memref<51200x26xi32, #tpu.memory_space<hbm>> -> memref<800x26xi32, #tpu.memory_space<hbm>>
      tpu.enqueue_dma source(%dma_start3A_45 : memref<800x26xi32, #tpu.memory_space<hbm>>) target(%arg5 : memref<800x26xi32, #tpu.memory_space<vmem>>) target_semaphore(%run_scoped3A : memref<!tpu.dma_semaphore, #tpu.memory_space<semaphore_mem>>)
      %dma_wait3A = arith.constant 0 : i32
      %dma_wait3A_46 = tpu.memref_slice %arg3[%add3A_24, %dma_wait3A] : memref<51200x26xi32, #tpu.memory_space<hbm>> -> memref<800x26xi32, #tpu.memory_space<hbm>>
      %dma_wait3A_47 = arith.constant 0 : i32
      %dma_wait3A_48 = tpu.memref_slice %arg3[%add3A_24, %dma_wait3A_47] : memref<51200x26xi32, #tpu.memory_space<hbm>> -> memref<800x26xi32, #tpu.memory_space<hbm>>
      tpu.wait_dma2 semaphore(%run_scoped3A : memref<!tpu.dma_semaphore, #tpu.memory_space<semaphore_mem>>) src(%dma_wait3A_48 : memref<800x26xi32, #tpu.memory_space<hbm>>) dst(%arg5 : memref<800x26xi32, #tpu.memory_space<vmem>>)
      tpu.yield
    }) : () -> ()
    %scan3A_25 = arith.constant 0 : i32
    %scan3A_26 = arith.constant 0 : i32
    %scan3A_27 = arith.constant 26 : i32
    %scan3A_28 = arith.addi %scan3A_26, %scan3A_27 : i32
    %scan3A_29 = arith.constant 1 : i32
    scf.for %scan3A_43 = %scan3A_26 to %scan3A_28 step %scan3A_29  : i32 {
      %broadcast_in_dim3A_44 = arith.constant 0 : i32
      %broadcast_in_dim3A_45 = vector.broadcast %broadcast_in_dim3A_44 : i32 to vector<16xi32>
      %add3A_46 = vector.broadcast %scan3A_43 : i32 to vector<16xi32>
      %add3A_47 = arith.addi %broadcast_in_dim3A_45, %add3A_46 : vector<16xi32>
      %jit3A = arith.constant 4 : i32
      %div3A = arith.divsi %scan3A_43, %jit3A : i32
      %sign3A = arith.constant 0 : i32
      %sign3A_48 = arith.cmpi sgt, %scan3A_43, %sign3A : i32
      %sign3A_49 = arith.extui %sign3A_48 : i1 to i32
      %sign3A_50 = arith.constant 0 : i32
      %sign3A_51 = arith.cmpi slt, %scan3A_43, %sign3A_50 : i32
      %sign3A_52 = arith.extui %sign3A_51 : i1 to i32
      %sign3A_53 = arith.subi %sign3A_49, %sign3A_52 : i32
      %sign3A_54 = arith.constant 0 : i32
      %sign3A_55 = arith.cmpi sgt, %jit3A, %sign3A_54 : i32
      %sign3A_56 = arith.extui %sign3A_55 : i1 to i32
      %sign3A_57 = arith.constant 0 : i32
      %sign3A_58 = arith.cmpi slt, %jit3A, %sign3A_57 : i32
      %sign3A_59 = arith.extui %sign3A_58 : i1 to i32
      %sign3A_60 = arith.subi %sign3A_56, %sign3A_59 : i32
      %ne3A = arith.cmpi ne, %sign3A_53, %sign3A_60 : i32
      %rem3A = arith.remsi %scan3A_43, %jit3A : i32
      %ne3A_61 = arith.constant 0 : i32
      %ne3A_62 = arith.cmpi ne, %rem3A, %ne3A_61 : i32
      %and3A = arith.andi %ne3A, %ne3A_62 : i1
      %sub3A = arith.constant 1 : i32
      %sub3A_63 = arith.subi %div3A, %sub3A : i32
      %select_n3A = arith.select %and3A, %sub3A_63, %div3A : i32
      %mul3A_64 = arith.constant 401408 : i32
      %mul3A_65 = arith.muli %select_n3A, %mul3A_64 : i32
      %jit3A_66 = arith.constant 4 : i32
      %eq3A = arith.constant 0 : i32
      %eq3A_67 = arith.cmpi eq, %jit3A_66, %eq3A : i32
      %jit3A_68 = arith.constant 1 : i32
      %select_n3A_69 = arith.select %eq3A_67, %jit3A_68, %jit3A_66 : i32
      %rem3A_70 = arith.remsi %scan3A_43, %select_n3A_69 : i32
      %ne3A_71 = arith.constant 0 : i32
      %ne3A_72 = arith.cmpi ne, %rem3A_70, %ne3A_71 : i32
      %lt3A = arith.constant 0 : i32
      %lt3A_73 = arith.cmpi slt, %rem3A_70, %lt3A : i32
      %lt3A_74 = arith.constant 0 : i32
      %lt3A_75 = arith.cmpi slt, %select_n3A_69, %lt3A_74 : i32
      %ne3A_76 = arith.xori %lt3A_73, %lt3A_75 : i1
      %and3A_77 = arith.andi %ne3A_76, %ne3A_72 : i1
      %add3A_78 = arith.addi %rem3A_70, %select_n3A_69 : i32
      %select_n3A_79 = arith.select %and3A_77, %add3A_78, %rem3A_70 : i32
      %add3A_80 = arith.addi %mul3A_65, %select_n3A_79 : i32
      %scan3A_81 = arith.constant 0 : i32
      %scan3A_82 = arith.constant 0 : i32
      %scan3A_83 = arith.constant 50 : i32
      %scan3A_84 = arith.addi %scan3A_82, %scan3A_83 : i32
      %scan3A_85 = arith.constant 1 : i32
      scf.for %scan3A_87 = %scan3A_82 to %scan3A_84 step %scan3A_85  : i32 {
        %mul3A_88 = arith.constant 16 : i32
        %mul3A_89 = arith.muli %scan3A_87, %mul3A_88 : i32
        %add3A_90 = vector.broadcast %mul3A_89 : i32 to vector<16xi32>
        %add3A_91 = arith.addi %iota3A, %add3A_90 : vector<16xi32>
        %gather3A = tpu.vector_load_idx %arg5[%add3A_91, %add3A_47] : memref<800x26xi32, #tpu.memory_space<vmem>>[vector<16xi32>, vector<16xi32>], vector<16xi32>,
        %mul3A_92 = arith.constant 4 : i32
        %mul3A_93 = vector.broadcast %mul3A_92 : i32 to vector<16xi32>
        %mul3A_94 = arith.muli %gather3A, %mul3A_93 : vector<16xi32>
        %add3A_95 = vector.broadcast %add3A_80 : i32 to vector<16xi32>
        %add3A_96 = arith.addi %mul3A_94, %add3A_95 : vector<16xi32>
        %mul3A_97 = arith.constant 16 : i32
        %mul3A_98 = arith.muli %scan3A_87, %mul3A_97 : i32
        %swap3A = arith.constant 1 : i32
        %swap3A_99 = arith.index_cast %swap3A : i32 to index
        %swap3A_100 = arith.index_cast %scan3A_43 : i32 to index
        %swap3A_101 = arith.index_cast %mul3A_98 : i32 to index
        %swap3A_102 = tpu.vector_load %arg6[%swap3A_99, %swap3A_100, %swap3A_101] {strides = array<i32>} : memref<2x26x800xi32, #tpu.memory_space<vmem>>, vector<16xi32>,
        tpu.vector_store %arg6[%swap3A_99, %swap3A_100, %swap3A_101], %add3A_96 {strides = array<i32>} : memref<2x26x800xi32, #tpu.memory_space<vmem>>, vector<16xi32>,
      }
      %scan3A_86 = arith.constant 50 : i32
    }
    %scan3A_30 = arith.constant 26 : i32
    %scan3A_31 = arith.constant 0 : i32
    %scan3A_32 = arith.constant 0 : i32
    %scan3A_33 = arith.constant 260 : i32
    %scan3A_34 = arith.addi %scan3A_32, %scan3A_33 : i32
    %scan3A_35 = arith.constant 1 : i32
    scf.for %scan3A_43 = %scan3A_32 to %scan3A_34 step %scan3A_35  : i32 {
      %jit3A = arith.constant 10 : i32
      %div3A = arith.divsi %scan3A_43, %jit3A : i32
      %sign3A = arith.constant 0 : i32
      %sign3A_44 = arith.cmpi sgt, %scan3A_43, %sign3A : i32
      %sign3A_45 = arith.extui %sign3A_44 : i1 to i32
      %sign3A_46 = arith.constant 0 : i32
      %sign3A_47 = arith.cmpi slt, %scan3A_43, %sign3A_46 : i32
      %sign3A_48 = arith.extui %sign3A_47 : i1 to i32
      %sign3A_49 = arith.subi %sign3A_45, %sign3A_48 : i32
      %sign3A_50 = arith.constant 0 : i32
      %sign3A_51 = arith.cmpi sgt, %jit3A, %sign3A_50 : i32
      %sign3A_52 = arith.extui %sign3A_51 : i1 to i32
      %sign3A_53 = arith.constant 0 : i32
      %sign3A_54 = arith.cmpi slt, %jit3A, %sign3A_53 : i32
      %sign3A_55 = arith.extui %sign3A_54 : i1 to i32
      %sign3A_56 = arith.subi %sign3A_52, %sign3A_55 : i32
      %ne3A = arith.cmpi ne, %sign3A_49, %sign3A_56 : i32
      %rem3A = arith.remsi %scan3A_43, %jit3A : i32
      %ne3A_57 = arith.constant 0 : i32
      %ne3A_58 = arith.cmpi ne, %rem3A, %ne3A_57 : i32
      %and3A = arith.andi %ne3A, %ne3A_58 : i1
      %sub3A = arith.constant 1 : i32
      %sub3A_59 = arith.subi %div3A, %sub3A : i32
      %select_n3A = arith.select %and3A, %sub3A_59, %div3A : i32
      %jit3A_60 = arith.constant 10 : i32
      %eq3A = arith.constant 0 : i32
      %eq3A_61 = arith.cmpi eq, %jit3A_60, %eq3A : i32
      %jit3A_62 = arith.constant 1 : i32
      %select_n3A_63 = arith.select %eq3A_61, %jit3A_62, %jit3A_60 : i32
      %rem3A_64 = arith.remsi %scan3A_43, %select_n3A_63 : i32
      %ne3A_65 = arith.constant 0 : i32
      %ne3A_66 = arith.cmpi ne, %rem3A_64, %ne3A_65 : i32
      %lt3A = arith.constant 0 : i32
      %lt3A_67 = arith.cmpi slt, %rem3A_64, %lt3A : i32
      %lt3A_68 = arith.constant 0 : i32
      %lt3A_69 = arith.cmpi slt, %select_n3A_63, %lt3A_68 : i32
      %ne3A_70 = arith.xori %lt3A_67, %lt3A_69 : i1
      %and3A_71 = arith.andi %ne3A_70, %ne3A_66 : i1
      %add3A_72 = arith.addi %rem3A_64, %select_n3A_63 : i32
      %select_n3A_73 = arith.select %and3A_71, %add3A_72, %rem3A_64 : i32
      %mul3A_74 = arith.constant 80 : i32
      %mul3A_75 = arith.muli %select_n3A_73, %mul3A_74 : i32
      %mul3A_76 = arith.constant 80 : i32
      %mul3A_77 = arith.muli %select_n3A_73, %mul3A_76 : i32
      %add3A_78 = arith.constant 800 : i32
      %add3A_79 = arith.addi %add3A_78, %mul3A_77 : i32
      %dma_start3A = arith.constant 1 : i32
      %dma_start3A_80 = arith.constant 0 : i32
      %dma_start3A_81 = tpu.memref_slice %arg7[%add3A_79, %dma_start3A_80] : memref<1600x32xf32, #tpu.memory_space<vmem>> -> memref<80x32xf32, #tpu.memory_space<vmem>>
      %dma_start3A_82 = tpu.memref_slice %arg6[%dma_start3A, %select_n3A, %mul3A_75] : memref<2x26x800xi32, #tpu.memory_space<vmem>> -> memref<1x1x80xi32, #tpu.memory_space<vmem>>
      %dma_start3A_83 = tpu.memref_squeeze %dma_start3A_82 : memref<1x1x80xi32, #tpu.memory_space<vmem>> -> memref<80xi32, #tpu.memory_space<vmem>>
      %dma_start3A_84 = arith.constant 0 : i32
      %dma_start3A_85 = arith.constant 0 : i32
      %dma_start3A_86 = tpu.memref_slice %arg2[%dma_start3A_84, %dma_start3A_85] : memref<2809856x32xf32, #tpu.memory_space<hbm>> -> memref<2809856x32xf32, #tpu.memory_space<hbm>>
      tpu.enqueue_indirect_dma source(%dma_start3A_86 : memref<2809856x32xf32, #tpu.memory_space<hbm>>) target(%dma_start3A_81 : memref<80x32xf32, #tpu.memory_space<vmem>>) offsets(%dma_start3A_83 : memref<80xi32, #tpu.memory_space<vmem>>) semaphore(%arg8 : memref<!tpu.dma_semaphore, #tpu.memory_space<semaphore_mem>>) {add = true}
    }
    %scan3A_36 = arith.constant 260 : i32
    %scan3A_37 = arith.constant 0 : i32
    %scan3A_38 = arith.constant 0 : i32
    %scan3A_39 = arith.constant 520 : i32
    %scan3A_40 = arith.addi %scan3A_38, %scan3A_39 : i32
    %scan3A_41 = arith.constant 1 : i32
    scf.for %scan3A_43 = %scan3A_38 to %scan3A_40 step %scan3A_41  : i32 {
      %dma_wait3A = arith.constant 0 : i32
      %dma_wait3A_44 = arith.constant 0 : i32
      %dma_wait3A_45 = arith.constant 0 : i32
      %dma_wait3A_46 = arith.constant 0 : i32
      %dma_wait3A_47 = tpu.memref_slice %arg7[%dma_wait3A_45, %dma_wait3A_46] : memref<1600x32xf32, #tpu.memory_space<vmem>> -> memref<80x32xf32, #tpu.memory_space<vmem>>
      %dma_wait3A_48 = arith.constant 0 : i32
      %dma_wait3A_49 = tpu.memref_slice %arg6[%dma_wait3A, %dma_wait3A_44, %dma_wait3A_48] : memref<2x26x800xi32, #tpu.memory_space<vmem>> -> memref<1x1x80xi32, #tpu.memory_space<vmem>>
      %dma_wait3A_50 = tpu.memref_squeeze %dma_wait3A_49 : memref<1x1x80xi32, #tpu.memory_space<vmem>> -> memref<80xi32, #tpu.memory_space<vmem>>
      %dma_wait3A_51 = arith.constant 0 : i32
      %dma_wait3A_52 = arith.constant 0 : i32
      %dma_wait3A_53 = tpu.memref_slice %arg2[%dma_wait3A_51, %dma_wait3A_52] : memref<2809856x32xf32, #tpu.memory_space<hbm>> -> memref<2809856x32xf32, #tpu.memory_space<hbm>>
      tpu.wait_indirect_dma semaphore(%arg8 : memref<!tpu.dma_semaphore, #tpu.memory_space<semaphore_mem>>) src(%dma_wait3A_53 : memref<2809856x32xf32, #tpu.memory_space<hbm>>) dst(%dma_wait3A_47 : memref<80x32xf32, #tpu.memory_space<vmem>>)
    }
    %scan3A_42 = arith.constant 520 : i32
    "tpu.region"() ({
      %run_scoped3A = tpu.sem_alloc : memref<!tpu.dma_semaphore, #tpu.memory_space<semaphore_mem>>
      %dma_start3A = arith.constant 0 : i32
      %dma_start3A_43 = tpu.memref_slice %arg4[%mul3A_2, %dma_start3A] : memref<51200x32xf32, #tpu.memory_space<hbm>> -> memref<1600x32xf32, #tpu.memory_space<hbm>>
      %dma_start3A_44 = arith.constant 0 : i32
      %dma_start3A_45 = tpu.memref_slice %arg4[%mul3A_2, %dma_start3A_44] : memref<51200x32xf32, #tpu.memory_space<hbm>> -> memref<1600x32xf32, #tpu.memory_space<hbm>>
      tpu.enqueue_dma source(%arg7 : memref<1600x32xf32, #tpu.memory_space<vmem>>) target(%dma_start3A_45 : memref<1600x32xf32, #tpu.memory_space<hbm>>) target_semaphore(%run_scoped3A : memref<!tpu.dma_semaphore, #tpu.memory_space<semaphore_mem>>)
      %dma_wait3A = arith.constant 0 : i32
      %dma_wait3A_46 = tpu.memref_slice %arg4[%mul3A_2, %dma_wait3A] : memref<51200x32xf32, #tpu.memory_space<hbm>> -> memref<1600x32xf32, #tpu.memory_space<hbm>>
      %dma_wait3A_47 = arith.constant 0 : i32
      %dma_wait3A_48 = tpu.memref_slice %arg4[%mul3A_2, %dma_wait3A_47] : memref<51200x32xf32, #tpu.memory_space<hbm>> -> memref<1600x32xf32, #tpu.memory_space<hbm>>
      tpu.wait_dma2 semaphore(%run_scoped3A : memref<!tpu.dma_semaphore, #tpu.memory_space<semaphore_mem>>) src(%arg7 : memref<1600x32xf32, #tpu.memory_space<vmem>>) dst(%dma_wait3A_48 : memref<1600x32xf32, #tpu.memory_space<hbm>>)
      tpu.yield
    }) : () -> ()
    return
  }
}

module attributes {stable_mosaic.version = 14 : i64} {
  func.func @body(%arg0: i32, %arg1: i32, %arg2: memref<128x14336xf32, #tpu.memory_space<vmem>>, %arg3: memref<14336x128xf32, #tpu.memory_space<vmem>>) attributes {dimension_semantics = [#tpu.dimension_semantics<arbitrary>, #tpu.dimension_semantics<arbitrary>], iteration_bounds = array<i64: 7, 7>, scalar_prefetch = 0 : i64, scratch_operands = 0 : i64, tpu.core_type = #tpu.core_type<tc>, window_params = [{transform_indices = @transform_0, window_bounds = array<i64: 128, 14336>}, {transform_indices = @transform_1, window_bounds = array<i64: 14336, 128>}]} {
    %get3A = arith.constant 0 : index
    %get3A_0 = arith.constant 0 : index
    %get3A_1 = vector.load %arg2[%get3A, %get3A_0] : memref<128x14336xf32, #tpu.memory_space<vmem>>, vector<128x14336xf32>
    %transpose3A = tpu.transpose %get3A_1, [1, 0] : vector<128x14336xf32> -> vector<14336x128xf32>
    %swap3A = arith.constant 0 : index
    %swap3A_2 = arith.constant 0 : index
    %swap3A_3 = vector.load %arg3[%swap3A, %swap3A_2] : memref<14336x128xf32, #tpu.memory_space<vmem>>, vector<14336x128xf32>
    tpu.vector_store %arg3[%swap3A, %swap3A_2], %transpose3A {strides = array<i32>} : memref<14336x128xf32, #tpu.memory_space<vmem>>, vector<14336x128xf32>,
    return
  }
  func.func @transform_0(%arg0: i32, %arg1: i32) -> (i32, i32) {
    %c0_i32 = arith.constant 0 : i32
    return %arg0, %arg1 : i32, i32
  }
  func.func @transform_1(%arg0: i32, %arg1: i32) -> (i32, i32) {
    %mul3A = arith.constant 7 : i32
    %mul3A_0 = arith.muli %arg0, %mul3A : i32
    %add3A = arith.addi %mul3A_0, %arg1 : i32
    %c0_i32 = arith.constant 0 : i32
    %c0_i32_1 = arith.constant 0 : i32
    return %add3A, %c0_i32 : i32, i32
  }
}

module attributes {stable_mosaic.version = 14 : i64} {
  func.func @body(%arg0: i32, %arg1: memref<2048x16xf32, #tpu.memory_space<vmem>>, %arg2: memref<16x32xf32, #tpu.memory_space<vmem>>, %arg3: memref<1x32xf32, #tpu.memory_space<vmem>>, %arg4: memref<2048x32xf32, #tpu.memory_space<vmem>>, %arg5: memref<1x32xf32, #tpu.memory_space<vmem>>, %arg6: memref<1x32xf32, #tpu.memory_space<vmem>>, %arg7: memref<2048x32xf32, #tpu.memory_space<vmem>>) attributes {dimension_semantics = [#tpu.dimension_semantics<arbitrary>], iteration_bounds = array<i64: 25>, scalar_prefetch = 0 : i64, scratch_operands = 0 : i64, tpu.core_type = #tpu.core_type<tc>, window_params = [{transform_indices = @transform_0, window_bounds = array<i64: 2048, 16>}, {pipeline_mode = #tpu.pipeline_mode<synchronous>, transform_indices = @transform_1, window_bounds = array<i64: 16, 32>}, {pipeline_mode = #tpu.pipeline_mode<synchronous>, transform_indices = @transform_2, window_bounds = array<i64: 1, 32>}, {transform_indices = @transform_3, window_bounds = array<i64: 2048, 32>}, {pipeline_mode = #tpu.pipeline_mode<synchronous>, transform_indices = @transform_4, window_bounds = array<i64: 1, 32>}, {pipeline_mode = #tpu.pipeline_mode<synchronous>, transform_indices = @transform_5, window_bounds = array<i64: 1, 32>}, {transform_indices = @transform_6, window_bounds = array<i64: 2048, 32>}]} {
    %get3A = arith.constant 0 : index
    %get3A_0 = arith.constant 0 : index
    %get3A_1 = vector.load %arg1[%get3A, %get3A_0] : memref<2048x16xf32, #tpu.memory_space<vmem>>, vector<2048x16xf32>
    %get3A_2 = arith.constant 0 : index
    %get3A_3 = arith.constant 0 : index
    %get3A_4 = vector.load %arg2[%get3A_2, %get3A_3] : memref<16x32xf32, #tpu.memory_space<vmem>>, vector<16x32xf32>
    %dot_general3A = arith.constant dense<0.000000e+00> : vector<2048x32xf32>
    %dot_general3A_5 = tpu.matmul %get3A_1, %get3A_4, %dot_general3A {dimension_numbers = #tpu.dot_dimension_numbers<[1], [0], [0], [1], [0, 0, 1, 1], [], []>, transpose_lhs_hint = false} : vector<2048x16xf32>, vector<16x32xf32>, vector<2048x32xf32> -> vector<2048x32xf32>
    %get3A_6 = arith.constant 0 : index
    %get3A_7 = arith.constant 0 : index
    %get3A_8 = vector.load %arg3[%get3A_6, %get3A_7] : memref<1x32xf32, #tpu.memory_space<vmem>>, vector<1x32xf32>
    %add3A = vector.broadcast %get3A_8 : vector<1x32xf32> to vector<2048x32xf32>
    %add3A_9 = arith.addf %dot_general3A_5, %add3A : vector<2048x32xf32>
    %get3A_10 = arith.constant 0 : index
    %get3A_11 = arith.constant 0 : index
    %get3A_12 = vector.load %arg4[%get3A_10, %get3A_11] : memref<2048x32xf32, #tpu.memory_space<vmem>>, vector<2048x32xf32>
    %mul3A = arith.constant 0.0384615399 : f32
    %mul3A_13 = vector.broadcast %mul3A : f32 to vector<2048x32xf32>
    %mul3A_14 = arith.mulf %get3A_12, %mul3A_13 : vector<2048x32xf32>
    %add3A_15 = arith.addf %add3A_9, %mul3A_14 : vector<2048x32xf32>
    %reduce_sum3A = arith.constant dense<0.000000e+00> : vector<2048xf32>
    %reduce_sum3A_16 = vector.multi_reduction <add>, %add3A_15, %reduce_sum3A [1] : vector<2048x32xf32> to vector<2048xf32>
    %broadcast_in_dim3A = vector.shape_cast %reduce_sum3A_16 : vector<2048xf32> to vector<2048x1xf32>
    %div3A = arith.constant 3.200000e+01 : f32
    %div3A_17 = vector.broadcast %div3A : f32 to vector<2048x1xf32>
    %div3A_18 = arith.divf %broadcast_in_dim3A, %div3A_17 : vector<2048x1xf32>
    %sub3A = vector.broadcast %div3A_18 : vector<2048x1xf32> to vector<2048x32xf32>
    %sub3A_19 = arith.subf %add3A_15, %sub3A : vector<2048x32xf32>
    %integer_pow3A = arith.mulf %sub3A_19, %sub3A_19 : vector<2048x32xf32>
    %reduce_sum3A_20 = arith.constant dense<0.000000e+00> : vector<2048xf32>
    %reduce_sum3A_21 = vector.multi_reduction <add>, %integer_pow3A, %reduce_sum3A_20 [1] : vector<2048x32xf32> to vector<2048xf32>
    %broadcast_in_dim3A_22 = vector.shape_cast %reduce_sum3A_21 : vector<2048xf32> to vector<2048x1xf32>
    %div3A_23 = arith.constant 3.200000e+01 : f32
    %div3A_24 = vector.broadcast %div3A_23 : f32 to vector<2048x1xf32>
    %div3A_25 = arith.divf %broadcast_in_dim3A_22, %div3A_24 : vector<2048x1xf32>
    %sub3A_26 = vector.broadcast %div3A_18 : vector<2048x1xf32> to vector<2048x32xf32>
    %sub3A_27 = arith.subf %add3A_15, %sub3A_26 : vector<2048x32xf32>
    %add3A_28 = arith.constant 9.99999974E-6 : f32
    %add3A_29 = vector.broadcast %add3A_28 : f32 to vector<2048x1xf32>
    %add3A_30 = arith.addf %div3A_25, %add3A_29 : vector<2048x1xf32>
    %rsqrt3A = math.rsqrt %add3A_30 : vector<2048x1xf32>
    %mul3A_31 = vector.broadcast %rsqrt3A : vector<2048x1xf32> to vector<2048x32xf32>
    %mul3A_32 = arith.mulf %sub3A_27, %mul3A_31 : vector<2048x32xf32>
    %get3A_33 = arith.constant 0 : index
    %get3A_34 = arith.constant 0 : index
    %get3A_35 = vector.load %arg5[%get3A_33, %get3A_34] : memref<1x32xf32, #tpu.memory_space<vmem>>, vector<1x32xf32>
    %mul3A_36 = vector.broadcast %get3A_35 : vector<1x32xf32> to vector<2048x32xf32>
    %mul3A_37 = arith.mulf %mul3A_32, %mul3A_36 : vector<2048x32xf32>
    %get3A_38 = arith.constant 0 : index
    %get3A_39 = arith.constant 0 : index
    %get3A_40 = vector.load %arg6[%get3A_38, %get3A_39] : memref<1x32xf32, #tpu.memory_space<vmem>>, vector<1x32xf32>
    %add3A_41 = vector.broadcast %get3A_40 : vector<1x32xf32> to vector<2048x32xf32>
    %add3A_42 = arith.addf %mul3A_37, %add3A_41 : vector<2048x32xf32>
    %swap3A = arith.constant 0 : index
    %swap3A_43 = arith.constant 0 : index
    %swap3A_44 = vector.load %arg7[%swap3A, %swap3A_43] : memref<2048x32xf32, #tpu.memory_space<vmem>>, vector<2048x32xf32>
    tpu.vector_store %arg7[%swap3A, %swap3A_43], %add3A_42 {strides = array<i32>} : memref<2048x32xf32, #tpu.memory_space<vmem>>, vector<2048x32xf32>,
    return
  }
  func.func @transform_0(%arg0: i32) -> (i32, i32) {
    %c0_i32 = arith.constant 0 : i32
    %c0_i32_0 = arith.constant 0 : i32
    return %arg0, %c0_i32 : i32, i32
  }
  func.func @transform_1(%arg0: i32) -> (i32, i32) {
    %c0_i32 = arith.constant 0 : i32
    %c0_i32_0 = arith.constant 0 : i32
    %c0_i32_1 = arith.constant 0 : i32
    return %c0_i32, %c0_i32_0 : i32, i32
  }
  func.func @transform_2(%arg0: i32) -> (i32, i32) {
    %c0_i32 = arith.constant 0 : i32
    %c0_i32_0 = arith.constant 0 : i32
    %c0_i32_1 = arith.constant 0 : i32
    return %c0_i32, %c0_i32_0 : i32, i32
  }
  func.func @transform_3(%arg0: i32) -> (i32, i32) {
    %c0_i32 = arith.constant 0 : i32
    %c0_i32_0 = arith.constant 0 : i32
    return %arg0, %c0_i32 : i32, i32
  }
  func.func @transform_4(%arg0: i32) -> (i32, i32) {
    %c0_i32 = arith.constant 0 : i32
    %c0_i32_0 = arith.constant 0 : i32
    %c0_i32_1 = arith.constant 0 : i32
    return %c0_i32, %c0_i32_0 : i32, i32
  }
  func.func @transform_5(%arg0: i32) -> (i32, i32) {
    %c0_i32 = arith.constant 0 : i32
    %c0_i32_0 = arith.constant 0 : i32
    %c0_i32_1 = arith.constant 0 : i32
    return %c0_i32, %c0_i32_0 : i32, i32
  }
  func.func @transform_6(%arg0: i32) -> (i32, i32) {
    %c0_i32 = arith.constant 0 : i32
    %c0_i32_0 = arith.constant 0 : i32
    return %arg0, %c0_i32 : i32, i32
  }
}

</mosaic_0001>

<sc_bundles>
// kernel: kernel.5.cloned.1.call-start
scs
__scs_entry_jumppad:
0x0: {  	(pc) =	sbr.rel $0x88, $3  }
0x1: {  	(tag) =	ssettag $0x0;
	lr =	simm.s32 $0x1  }
0x2: {  	[smem:$0x3F9A] =	sst lr;
	_ =	strace $0xD0000000  }
0x3: {  	_ = 	snop  }
0x4: {  	_ = 	snop  }
0x5: {  	_ = 	snop  }
0x6: {  	_ = 	snop  }
0x7: {  	_ = 	snop  }
__scs_overlays_trampoline_lowered:
0x8: {  	[smem:$0x3FA9] =	sst s0  }
0x9: {  	[smem:$0x3FAA] =	sst s1  }
0xa: {  	[smem:$0x3FAB] =	sst s2  }
0xb: {  	[smem:$0x3FAC] =	sst s3  }
0xc: {  	[smem:$0x3FAD] =	sst s4  }
0xd: {  	[smem:$0x3FAE] =	sst s5  }
0xe: {  	[smem:$0x3FAF] =	sst s6  }
0xf: {  	[smem:$0x3FB0] =	sst s7  }
0x10: {  	[smem:$0x3FB1] =	sst s8  }
0x11: {  	[smem:$0x3FB2] =	sst s9;
	s0 =	simm.s32 @!p0 $0x0  }
0x12: {  	s1 =	sld [smem:$0x3F98];
	s0 =	simm.s32 @p0 $0x1  }
0x13: {  	[smem:$0x3FB3] =	sst s0;
	s0 =	simm.s32 @!p1 $0x0  }
0x14: {  	s2 =	sld [smem:$0x3F97];
	s0 =	simm.s32 @p1 $0x1  }
0x15: {  	[smem:$0x3FB4] =	sst s0;
	s0 =	simm.s32 @!p2 $0x0  }
0x16: {  	s3 =	sld [smem:$0x3FDB];
	s0 =	simm.s32 @p2 $0x1  }
0x17: {  	s4 =	simm.s32 $0x1BF5;
	[smem:$0x3FB6] =	sst s0  }
0x18: {  	s0 =	sld [smem:$0x3F99];
	_ =	swait.ge [sflag:s4], $0x0  }
0x19: {  	s7 =	sld [smem:$0x3F9A]  }
0x1a: {  	s8 =	sadd.s32 $0xFFFFE003, lr  }
0x1b: {  	s9 =	sadd.s32 $0xFFFFFEF7, lr;
	s5 =	simm.s32 $0xFFFFFFFF;
	p2 =	slt.u32 s8, $0xFFFFF086  }
0x1c: {  	p1 =	slt.u32 s9, $0xF7A;
	s5 =	simm.s32 @!p2 $0x0  }
0x1d: {  	s5 =	simm.s32 @p1 $0x1;
	p0 =	seq.s32 s7, s2  }
0x1e: {  	s7 =	smul.u32 @!p0 $0xF7A, s2;
	p2 =	seq.s32 @!p0 s5, $0x0  }
0x1f: {  	s9 =	smul.u32 $0xF7A, s1;
	s8 =	simm.s32 @!p0 $0x1BF5;
	p2 =	por !p2, p0  }
0x20: {  	[sflag:s8] =	ssyncset.s32 @!p0 $0xFFFFF086;
	s6 =	sadd.s32 @!p0 s3, s7;
	s7 =	simm.s32 @!p0 $0x108  }
0x21: {  	s3 =	sadd.s32 s3, s9;
	s6 =	sadd.s32 @!p0 $0x88, s6;
	s7 =	simm.s32 @p2 $0x1082  }
0x22: {  	[simem:s7], [sflag:s8] =	dma.local @!p0 [hbm:s6], $0xF7A  }
0x23: {  	s9 =	sor.u32 $0xD0000000, s2;
	s6 =	simm.s32 $0x108;
	_ =	swait.ge @!p0 [sflag:s8], $0x0  }
0x24: {  	s3 =	sadd.s32 $0x88, s3;
	s6 =	simm.s32 @!p1 $0x1082;
	[sflag:s4] =	ssyncset.s32 $0xFFFFF086  }
0x25: {  	[simem:s6], [sflag:s4] =	dma.local [hbm:s3], $0xF7A  }
0x26: {  	[smem:$0x3F9A] =	sst s1;
	(tag) =	ssettag s2;
	_ =	strace s9  }
0x27: {  	s1 =	sld [smem:$0x3FAA]  }
0x28: {  	s2 =	sld [smem:$0x3FAB]  }
0x29: {  	s4 =	sld [smem:$0x3FAD]  }
0x2a: {  	p0 =	seq.s32 s5, $0x0;
	s5 =	sld [smem:$0x3FAE]  }
0x2b: {  	s6 =	sld [smem:$0x3FAF]  }
0x2c: {  	s7 =	sld [smem:$0x3FB0]  }
0x2d: {  	s3 =	simm.s32 $0x108;
	s8 =	sld [smem:$0x3FB1]  }
0x2e: {  	s3 =	simm.s32 @!p0 $0x1082;
	s9 =	sld [smem:$0x3FB2]  }
0x2f: {  	lr =	sadd.s32 s0, s3;
	s0 =	sld [smem:$0x3FA9]  }
0x30: {  	s3 =	sld [smem:$0x3FAC]  }
0x31: {  	[smem:$0x3FB5] =	sst s10  }
0x32: {  	s10 =	sld [smem:$0x3FB3];
	_ =	sdelay $0x3  }
0x33: {  	p0 =	seq.s32 s10, $0x1;
	s10 =	sld [smem:$0x3FB5];
	_ =	sdelay $0x3  }
0x34: {  	[smem:$0x3FB5] =	sst s10  }
0x35: {  	s10 =	sld [smem:$0x3FB4];
	_ =	sdelay $0x3  }
0x36: {  	p1 =	seq.s32 s10, $0x1;
	s10 =	sld [smem:$0x3FB5];
	_ =	sdelay $0x3  }
0x37: {  	[smem:$0x3FB5] =	sst s10  }
0x38: {  	s10 =	sld [smem:$0x3FB6]  }
0x39: {  	_ = 	snop;
	(pc) =	sbr.ind lr, $3  }
0x3a: {  	_ = 	snop  }
0x3b: {  	_ = 	snop  }
0x3c: {  	p2 =	seq.s32 s10, $0x1;
	s10 =	sld [smem:$0x3FB5]  }
0x3d: {  	_ =	shalt  }
0x3e: {  	_ =	shalt  }
0x3f: {  	_ =	shalt  }
0x40: {  	_ =	shalt  }
0x41: {  	_ =	shalt  }
0x42: {  	_ =	shalt  }
0x43: {  	_ =	shalt  }
0x44: {  	_ =	shalt  }
0x45: {  	_ =	shalt  }
0x46: {  	_ =	shalt  }
0x47: {  	_ =	shalt  }
0x48: {  	_ =	shalt  }
0x49: {  	_ =	shalt  }
0x4a: {  	_ =	shalt  }
0x4b: {  	_ =	shalt  }
0x4c: {  	_ =	shalt  }
0x4d: {  	_ =	shalt  }
0x4e: {  	_ =	shalt  }
0x4f: {  	_ =	shalt  }
0x50: {  	_ =	shalt  }
0x51: {  	_ =	shalt  }
0x52: {  	_ =	shalt  }
0x53: {  	_ =	shalt  }
0x54: {  	_ =	shalt  }
0x55: {  	_ =	shalt  }
0x56: {  	_ =	shalt  }
0x57: {  	_ =	shalt  }
0x58: {  	_ =	shalt  }
0x59: {  	_ =	shalt  }
0x5a: {  	_ =	shalt  }
0x5b: {  	_ =	shalt  }
0x5c: {  	_ =	shalt  }
0x5d: {  	_ =	shalt  }
0x5e: {  	_ =	shalt  }
0x5f: {  	_ =	shalt  }
0x60: {  	_ =	shalt  }
0x61: {  	_ =	shalt  }
0x62: {  	_ =	shalt  }
0x63: {  	_ =	shalt  }
0x64: {  	_ =	shalt  }
0x65: {  	_ =	shalt  }
0x66: {  	_ =	shalt  }
0x67: {  	_ =	shalt  }
0x68: {  	_ =	shalt  }
0x69: {  	_ =	shalt  }
0x6a: {  	_ =	shalt  }
0x6b: {  	_ =	shalt  }
0x6c: {  	_ =	shalt  }
0x6d: {  	_ =	shalt  }
0x6e: {  	_ =	shalt  }
0x6f: {  	_ =	shalt  }
0x70: {  	_ =	shalt  }
0x71: {  	_ =	shalt  }
0x72: {  	_ =	shalt  }
0x73: {  	_ =	shalt  }
0x74: {  	_ =	shalt  }
0x75: {  	_ =	shalt  }
0x76: {  	_ =	shalt  }
0x77: {  	_ =	shalt  }
0x78: {  	_ =	shalt  }
0x79: {  	_ =	shalt  }
0x7a: {  	_ =	shalt  }
0x7b: {  	_ =	shalt  }
0x7c: {  	_ =	shalt  }
0x7d: {  	_ =	shalt  }
0x7e: {  	_ =	shalt  }
0x7f: {  	_ =	shalt  }
0x80: {  	_ =	shalt  }
0x81: {  	_ =	shalt  }
0x82: {  	_ =	shalt  }
0x83: {  	_ =	shalt  }
0x84: {  	_ =	shalt  }
0x85: {  	_ =	shalt  }
0x86: {  	_ =	shalt  }
0x87: {  	_ =	shalt  }
.Lfunc_end0:
.L_simem_size_0:
called_computation_lowered:
.L_overlay_start_0:
0x88: {  	s2 =	sld [smem:$0x3FD9]  }
0x89: {  	s3 =	sld [smem:$0x3FFE];
	_ =	sdelay $0x1  }
0x8a: {  	s1 =	srdreg.scid  }
0x8b: {  	s0 =	sand.u32 $0x1, s1  }
0x8c: {  	s17 =	sshll.u32 s0, $0xA;
	s2 =	sadd.s32 s3, s2  }
0x8d: {  	s2 =	sadd.s32 s2, s17  }
0x8e: {  	[smem:$0x3FC1] =	sst s2  }
0x8f: {  	_ = 	snop  }
0x90: {  	s2 =	sld [smem:$0x3FD0];
	(tm) =	ssettm $0x1  }
0x91: {  	s18 =	sld [smem:$0x3FFB];
	_ =	sdelay $0x3  }
0x92: {  	_ =	strace s18  }
0x93: {  	s3 =	sld [smem:$0x3FFC];
	_ =	sdelay $0x3  }
0x94: {  	_ =	strace s3  }
0x95: {  	s3 =	sld [smem:$0x3FFD];
	_ =	sdelay $0x3  }
0x96: {  	_ =	strace s3  }
0x97: {  	_ =	strace $0x8FFFFFFF  }
0x98: {  	s19 =	sld [smem:$0x3FDB];
	_ =	sdelay $0x1  }
0x99: {  	s4 =	simm.s32 $_scs_section_size  }
0x9a: {  	s5 =	simm.s32 $_size__tile_overlayer_lowered;
	s6 =	simm.s32 $_tile_overlayer_lowered  }
0x9b: {  	s22 =	simm.s32 $0x1BFF;
	s21 =	sshll.u32 s6, $0x1;
	s3 =	sadd.s32 s4, s19  }
0x9c: {  	s7 =	simm.s32 $0x0;
	s20 =	sshll.u32 s5, $0x1;
	s5 =	sadd.s32 s21, s3  }
0x9d: {  	[timem:s7], [sflag:s22] =	dma.local [hbm:s5], s20  }
0x9e: {  	_ =	swait.ge [sflag:s22], s20  }
0x9f: {  	s4 =	ssub.s32 $0x0, s20;
	[sflag:s22] =	ssyncset.done $0x0  }
0xa0: {  	[sflag:s22] =	ssyncadd.s32 s4;
	_ =	sdelay $0x1  }
0xa1: {  	s23 =	simm.s32 $0x1B8B  }
0xa2: {  	_ =	swait.ge [sflag:s23], $0x1  }
0xa3: {  	[sflag:s23] =	ssyncset.done $0x0  }
0xa4: {  	s25 =	simm.s32 $0x1B8E;
	s24 =	sld [smem:$0x3FFE];
	[sflag:s23] =	ssyncadd.s32 $0xFFFFFFFF  }
0xa5: {  	s26 =	simm.s32 $execute0_lowered;
	[smem:$0x3FD2] =	sst s25  }
0xa6: {  	s5 =	sshll.u32 s26, $0x1;
	_ =	strace $0x80000046;
	[dreg:$0x1] =	wrdreg $0xFFFFFFFF  }
0xa7: {  	s28 =	simm.s32 $_size_execute0_lowered;
	s3 =	sadd.s32 s3, s5;
	[dreg:$0x0] =	wrdreg $0x0  }
0xa8: {  	s5 =	sshll.u32 s28, $0x1;
	[dreg:$0x2] =	wrdreg s3  }
0xa9: {  	[dreg:$0x3] =	wrdreg s5  }
0xaa: {  	[dreg:$0x4] =	wrdreg $0xC0  }
0xab: {  	_ =	task [dreg:s7], $0x5FFFF  }
0xac: {  	[dreg:$0x1] =	wrdreg $0xFFFFFFFF  }
0xad: {  	[dreg:$0x0] =	wrdreg $0x60  }
0xae: {  	[dreg:$0x2] =	wrdreg s24  }
0xaf: {  	[dreg:$0x3] =	wrdreg s2  }
0xb0: {  	[dreg:$0x4] =	wrdreg $0x9  }
0xb1: {  	_ =	task.clear_ibuf [dreg:s7], $0x5FFFF;
	_ =	strace $0x90000046  }
0xb2: {  	s29 =	simm.s32 $0x9;
	_ =	strace $0x80000048  }
0xb3: {  	_ =	swait.ge [sflag:s29], $0x1  }
0xb4: {  	[sflag:s29] =	ssyncadd.s32 $0xFFFFFFFF  }
0xb5: {  	_ =	strace $0x90000048  }
0xb6: {  	_ =	sfence  }
0xb7: {  	s30 =	sld [smem:$0x0];
	_ =	sdelay $0x2  }
0xb8: {  	s31 =	sshll.u32 s1, $0xD;
	s1 =	sshrl.u32 s1, $0x2  }
0xb9: {  	s3 =	sand.u32 $0x4000, s31;
	s1 =	sadd.s32 s1, s30  }
0xba: {  	s0 =	sor.u32 s3, s0;
	s1 =	sshll.u32 s1, $0x11  }
0xbb: {  	s0 =	sor.u32 s1, s0  }
0xbc: {  	s0 =	sadd.s32 $0x8F2B, s0  }
0xbd: {  	[sflag:s0] =	ssyncadd.remote.s32 $0x1  }
0xbe: {  	_ =	sfence.sel $0xFFFF  }
0xbf: {  	[dreg:$0x0] =	wrdreg $0xFFFFFFFF;
	(pc) =	sbr.abs _section_cstart, $3  }
0xc0: {  	[dreg:$0x1] =	wrdreg $0xFFFFFFFF  }
0xc1: {  	_ =	task.clear_ibuf [dreg:s7], $0x2FFFF;
	_ =	strace $0x9FFFFFFF  }
0xc2: {  	(tm) =	ssettm $0x7FFFFFFF  }
0xc3: {  	_ =	shalt  }
tec
execute0_lowered:
.L_overlay_start_1:
0x0: {  	(tag) =	ssettag $0x1  }
0x1: {  	s4 =	rddreg [dreg:$0x0];
	s1 =	srdreg.scid  }
0x2: {  	s0 =	stileid.u32;
	s5 =	rddreg [dreg:$0x1];
	s2 =	simm.s32 $0x0  }
0x3: {  	s11 =	simm.s32 $0x10680;
	s3 =	sand.u32 $0x1, s1;
	s6 =	sshll.u32 s0, $0x1  }
0x4: {  	s12 =	simm.s32 $0x0;
	s1 =	rddreg [dreg:$0x2];
	s6 =	sor.u32 s3, s6  }
0x5: {  	[smem:$0x7FF] =	sst s2;
	s8 =	ssub.s32 $0x2, s3;
	s7 =	smul.u32 $0xC800, s6  }
0x6: {  	_ =	strace $0x80000047;
	s6 =	smul.u32 $0x1900, s6;
	s9 =	sshrl.u32 s8, $0x1  }
0x7: {  	s3 =	sadd.s32 $0xE00, s4;
	s8 =	ssub.s32 s8, s9;
	s9 =	simm.s32 $0x50  }
0x8: {  	s7 =	sshrl.u32 s7, $0x3;
	s10 =	sadd.s32 s6, s4;
	s4 =	sadd.s32 s5, s6  }
0x9: {  	v1 =	vlaneseq.u32;
	s7 =	sadd.s32 s5, s7;
	s6 =	sadd.s32 $0xAB8E00, s10;
	s10 =	simm.s32 $0x1  }
0xa: {  	v0 =	vimm.f32 $0.0e+00;
	v1 =	vmul.u32 $0x20, v1;
	s5 =	sadd.s32 $0xC80, s7;
	s7 =	smax.u32 s8, $0x1;
	s8 =	simm.s32 $0x2  }
.LBB2_1:
0xb: {  	s13 =	simm.s32 $0x80;
	s14 =	simm.s32 $0x0  }
.LBB2_2:
0xc: {  	p0 =	sne.s32 s13, $0x31F80;
	[tilespmem:s14+$0x10680] =	vst v0;
	s15 =	smov.u32 s13;
	s13 =	sadd.s32 $0x80, s13  }
.Ltmp0:
0xd: {  	[tilespmem:s14+$0x10690] =	vst v0;
	(pc) =	sbr.rel @p0 .LBB2_2-.Ltmp0, $2  }
0xe: {  	_ =	sdelay $0x2  }
0xf: {  	s14 =	sshra.s32 s15, $0x2  }
0x10: {  	[tilespmem:s14+$0x10680] =	vst v0  }
0x11: {  	[tilespmem:s14+$0x10690] =	vst v0;
	s13 =	simm.s32 $0x0  }
0x12: {  	[tilespmem:s13], [sflag:$0x2] =	stream.linear.gather [hbm4b:s4+s13], $0x6400, $0x38;
	[tilespmem:$0x1CE80] =	vst v63  }
0x13: {  	_ =	swait.ge [sflag:s8], $0x6400  }
0x14: {  	[sflag:s8] =	ssyncset.done $0x0  }
0x15: {  	s14 =	simm.s32 $0x6400;
	s15 =	simm.s32 $0x0;
	[sflag:s8] =	ssyncadd.s32 $0xFFFF9C00  }
.LBB2_4:
0x16: {  	v2 =	vmov s15  }
0x17: {  	v3 =	vmov s13;
	v2 =	vand.u32 $0x1F, v2  }
0x18: {  	v3 =	vshll.u32 v3, $0x5;
	v2 =	vbroadcast v2, $0x0  }
0x19: {  	v3 =	vor.u32 v1, v3  }
0x1a: {  	v3 =	vor.u32 v2, v3;
	_ =	sdelay $0x3  }
0x1b: {  	s16 =	simm.s32 $0x10  }
0x1c: {  	v4 =	vld.idx.msk [tilespmem:v3+s2+$0x0], $0xffff;
	v3 =	vmov s16  }
0x1d: {  	s30 =	sshrl.u32 s15, $0x2;
	v3 =	vshll.u32 v3, $0x5  }
0x1e: {  	s16 =	smul.u32 $0x62000, s30;
	v3 =	vor.u32 v1, v3  }
0x1f: {  	s17 =	sand.u32 $0x3, s15;
	v5 =	vor.u32 v2, v3  }
0x20: {  	s16 =	sor.u32 s17, s16  }
0x21: {  	v3 =	vmov s16;
	v4 =	vshll.u32 v4, $0x2  }
0x22: {  	v4 =	vadd.s32 v3, v4  }
0x23: {  	s31 =	simm.s32 $0x20;
	[tilespmem:s14+$0x0] =	vst v4  }
0x24: {  	s17 =	simm.s32 $0x30;
	s16 =	smov.u32 s14;
	v4 =	vld.idx.msk [tilespmem:v5+s2+$0x0], $0xffff;
	v5 =	vmov s31  }
.LBB2_5:
0x25: {  	p0 =	sne.s32 s17, $0x310;
	v5 =	vshll.u32 v5, $0x5  }
0x26: {  	v5 =	vor.u32 v1, v5  }
0x27: {  	v5 =	vor.u32 v2, v5;
	_ =	sdelay $0x1  }
.Ltmp1:
0x28: {  	v4 =	vshll.u32 v4, $0x2;
	(pc) =	sbr.rel @p0 .LBB2_5-.Ltmp1, $4  }
0x29: {  	s16 =	sadd.s32 $0x10, s16;
	v4 =	vadd.s32 v3, v4  }
0x2a: {  	[tilespmem:s16+$0x0] =	vst v4  }
0x2b: {  	v4 =	vld.idx.msk [tilespmem:v5+s2+$0x0], $0xffff  }
0x2c: {  	v5 =	vmov s17;
	s17 =	sadd.s32 $0x10, s17  }
0x2d: {  	v5 =	vshll.u32 v5, $0x5  }
0x2e: {  	v5 =	vor.u32 v1, v5  }
0x2f: {  	v2 =	vor.u32 v2, v5;
	_ =	sdelay $0x1  }
0x30: {  	v4 =	vshll.u32 v4, $0x2  }
0x31: {  	s16 =	sadd.s32 $0x10, s16;
	v4 =	vadd.s32 v3, v4  }
0x32: {  	[tilespmem:s16+$0x0] =	vst v4  }
0x33: {  	v2 =	vld.idx.msk [tilespmem:v2+s2+$0x0], $0xffff  }
0x34: {  	s15 =	sadd.s32 $0x1, s15  }
0x35: {  	p0 =	sne.s32 s15, $0x1A  }
.Ltmp2:
0x36: {  	_ = 	snop;
	(pc) =	sbr.rel @p0 .LBB2_4-.Ltmp2, $4  }
0x37: {  	_ = 	snop  }
0x38: {  	v2 =	vshll.u32 v2, $0x2  }
0x39: {  	s16 =	sadd.s32 $0x10, s16;
	v2 =	vadd.s32 v3, v2  }
0x3a: {  	s14 =	sadd.s32 $0x320, s14;
	[tilespmem:s16+$0x0] =	vst v2  }
0x3b: {  	s13 =	simm.s32 $0x0  }
0x3c: {  	s13 =	smul.u32 $0xCCCD, s13;
	_ =	sdelay $0x1  }
0x3d: {  	s14 =	sshrl.u32 s13, $0x13  }
0x3e: {  	s16 =	smul.u32 $0xA, s14  }
0x3f: {  	s13 =	simm.s32 $0x1  }
0x40: {  	s15 =	smul.u32 $0xCCCD, s13;
	s16 =	ssub.s32 $0x0, s16  }
0x41: {  	s17 =	sand.u32 $0xFFFF, s16;
	s16 =	smul.u32 $0xC80, s14  }
0x42: {  	s14 =	simm.s32 $0x2;
	s18 =	smul.u32 $0x140, s17  }
.LBB2_8:
0x43: {  	s17 =	smul.u32 $0x2800, s17  }
0x44: {  	p0 =	sne.s32 s14, $0x103;
	s19 =	sshrl.u32 s15, $0x13;
	s15 =	smul.u32 $0xCCCD, s14  }
0x45: {  	s16 =	sshrl.u32 s16, $0x2;
	s20 =	smul.u32 $0xA, s19;
	s18 =	sshrl.u32 s18, $0x2  }
.Ltmp3:
0x46: {  	s17 =	sshrl.u32 s17, $0x2;
	s16 =	sadd.s32 s18, s16;
	(pc) =	sbr.rel @p0 .LBB2_8-.Ltmp3, $4  }
0x47: {  	s13 =	ssub.s32 s13, s20;
	s17 =	sadd.s32 $0x10680, s17;
	s16 =	sadd.s32 $0x6400, s16  }
0x48: {  	[tilespmem:s17], [sflag:$0x1] =	stream.indirect.gather.add.f32 [hbm:s3], $0x20, s16, s9, $0xb8;
	[tilespmem:$0x1CE80] =	vst v63  }
0x49: {  	s17 =	sand.u32 $0xFFFF, s13;
	s16 =	smul.u32 $0xC80, s19;
	s13 =	smov.u32 s14  }
0x4a: {  	s14 =	sadd.s32 $0x1, s14;
	s18 =	smul.u32 $0x140, s17  }
0x4b: {  	s14 =	sshrl.u32 s15, $0x13;
	s29 =	smul.u32 $0x2800, s17  }
0x4c: {  	s16 =	sshrl.u32 s16, $0x2;
	s30 =	smul.u32 $0xA, s14;
	s18 =	sshrl.u32 s18, $0x2  }
0x4d: {  	s15 =	sshrl.u32 s29, $0x2;
	s16 =	sadd.s32 s18, s16  }
0x4e: {  	s13 =	ssub.s32 s13, s30;
	s15 =	sadd.s32 $0x10680, s15;
	s16 =	sadd.s32 $0x6400, s16  }
0x4f: {  	[tilespmem:s15], [sflag:$0x1] =	stream.indirect.gather.add.f32 [hbm:s3], $0x20, s16, s9, $0xb8;
	[tilespmem:$0x1CE80] =	vst v63  }
0x50: {  	s14 =	smul.u32 $0xC80, s14;
	s13 =	sand.u32 $0xFFFF, s13  }
0x51: {  	s31 =	smul.u32 $0x140, s13  }
0x52: {  	s13 =	smul.u32 $0x2800, s13  }
0x53: {  	s14 =	sshrl.u32 s14, $0x2;
	s15 =	sshrl.u32 s31, $0x2  }
0x54: {  	s13 =	sshrl.u32 s13, $0x2;
	s14 =	sadd.s32 s15, s14  }
0x55: {  	s13 =	sadd.s32 $0x10680, s13;
	s14 =	sadd.s32 $0x6400, s14  }
0x56: {  	[tilespmem:s13], [sflag:$0x1] =	stream.indirect.gather.add.f32 [hbm:s3], $0x20, s14, s9, $0xb8;
	[tilespmem:$0x1CE80] =	vst v63  }
0x57: {  	s13 =	simm.s32 $0x0  }
0x58: {  	[tilespmem:s13], [sflag:$0x2] =	stream.linear.gather [hbm4b:s5+s13], $0x6400, $0x38;
	[tilespmem:$0x1CE80] =	vst v63  }
0x59: {  	_ =	swait.ge [sflag:s8], $0x6400  }
0x5a: {  	[sflag:s8] =	ssyncset.done $0x0  }
0x5b: {  	s15 =	simm.s32 $0x0;
	s14 =	simm.s32 $0xB540;
	[sflag:s8] =	ssyncadd.s32 $0xFFFF9C00  }
.LBB2_10:
0x5c: {  	v2 =	vmov s15  }
0x5d: {  	v3 =	vmov s13;
	v2 =	vand.u32 $0x1F, v2  }
0x5e: {  	v3 =	vshll.u32 v3, $0x5;
	v2 =	vbroadcast v2, $0x0  }
0x5f: {  	v3 =	vor.u32 v1, v3  }
0x60: {  	v3 =	vor.u32 v2, v3;
	_ =	sdelay $0x3  }
0x61: {  	s16 =	simm.s32 $0x10  }
0x62: {  	v4 =	vld.idx.msk [tilespmem:v3+s2+$0x0], $0xffff;
	v3 =	vmov s16  }
0x63: {  	s30 =	sshrl.u32 s15, $0x2;
	v3 =	vshll.u32 v3, $0x5  }
0x64: {  	s16 =	smul.u32 $0x62000, s30;
	v3 =	vor.u32 v1, v3  }
0x65: {  	s17 =	sand.u32 $0x3, s15;
	v5 =	vor.u32 v2, v3  }
0x66: {  	s16 =	sor.u32 s17, s16  }
0x67: {  	v3 =	vmov s16;
	v4 =	vshll.u32 v4, $0x2  }
0x68: {  	v4 =	vadd.s32 v3, v4  }
0x69: {  	s31 =	simm.s32 $0x20;
	[tilespmem:s14+$0x0] =	vst v4  }
0x6a: {  	s17 =	simm.s32 $0x30;
	s16 =	smov.u32 s14;
	v4 =	vld.idx.msk [tilespmem:v5+s2+$0x0], $0xffff;
	v5 =	vmov s31  }
.LBB2_11:
0x6b: {  	p0 =	sne.s32 s17, $0x310;
	v5 =	vshll.u32 v5, $0x5  }
0x6c: {  	v5 =	vor.u32 v1, v5  }
0x6d: {  	v5 =	vor.u32 v2, v5;
	_ =	sdelay $0x1  }
.Ltmp4:
0x6e: {  	v4 =	vshll.u32 v4, $0x2;
	(pc) =	sbr.rel @p0 .LBB2_11-.Ltmp4, $4  }
0x6f: {  	s16 =	sadd.s32 $0x10, s16;
	v4 =	vadd.s32 v3, v4  }
0x70: {  	[tilespmem:s16+$0x0] =	vst v4  }
0x71: {  	v4 =	vld.idx.msk [tilespmem:v5+s2+$0x0], $0xffff  }
0x72: {  	v5 =	vmov s17;
	s17 =	sadd.s32 $0x10, s17  }
0x73: {  	v5 =	vshll.u32 v5, $0x5  }
0x74: {  	v5 =	vor.u32 v1, v5  }
0x75: {  	v2 =	vor.u32 v2, v5;
	_ =	sdelay $0x1  }
0x76: {  	v4 =	vshll.u32 v4, $0x2  }
0x77: {  	s16 =	sadd.s32 $0x10, s16;
	v4 =	vadd.s32 v3, v4  }
0x78: {  	[tilespmem:s16+$0x0] =	vst v4  }
0x79: {  	v2 =	vld.idx.msk [tilespmem:v2+s2+$0x0], $0xffff  }
0x7a: {  	s15 =	sadd.s32 $0x1, s15  }
0x7b: {  	p0 =	sne.s32 s15, $0x1A  }
.Ltmp5:
0x7c: {  	_ = 	snop;
	(pc) =	sbr.rel @p0 .LBB2_10-.Ltmp5, $4  }
0x7d: {  	_ = 	snop  }
0x7e: {  	v2 =	vshll.u32 v2, $0x2  }
0x7f: {  	s16 =	sadd.s32 $0x10, s16;
	v2 =	vadd.s32 v3, v2  }
0x80: {  	s14 =	sadd.s32 $0x320, s14;
	[tilespmem:s16+$0x0] =	vst v2  }
0x81: {  	s13 =	simm.s32 $0x0  }
0x82: {  	s13 =	smul.u32 $0xCCCD, s13;
	_ =	sdelay $0x1  }
0x83: {  	s14 =	sshrl.u32 s13, $0x13  }
0x84: {  	s16 =	smul.u32 $0xA, s14  }
0x85: {  	s13 =	simm.s32 $0x1  }
0x86: {  	s15 =	smul.u32 $0xCCCD, s13;
	s16 =	ssub.s32 $0x0, s16  }
0x87: {  	s17 =	sand.u32 $0xFFFF, s16;
	s16 =	smul.u32 $0xC80, s14  }
0x88: {  	s14 =	simm.s32 $0x2;
	s18 =	smul.u32 $0x140, s17  }
.LBB2_14:
0x89: {  	s17 =	smul.u32 $0x2800, s17  }
0x8a: {  	p0 =	sne.s32 s14, $0x103;
	s19 =	sshrl.u32 s15, $0x13;
	s15 =	smul.u32 $0xCCCD, s14  }
0x8b: {  	s16 =	sshrl.u32 s16, $0x2;
	s20 =	smul.u32 $0xA, s19;
	s18 =	sshrl.u32 s18, $0x2  }
.Ltmp6:
0x8c: {  	s17 =	sshrl.u32 s17, $0x2;
	s16 =	sadd.s32 s18, s16;
	(pc) =	sbr.rel @p0 .LBB2_14-.Ltmp6, $4  }
0x8d: {  	s13 =	ssub.s32 s13, s20;
	s17 =	sadd.s32 $0x16A80, s17;
	s16 =	sadd.s32 $0xB540, s16  }
0x8e: {  	[tilespmem:s17], [sflag:$0x1] =	stream.indirect.gather.add.f32 [hbm:s3], $0x20, s16, s9, $0xb8;
	[tilespmem:$0x1CE80] =	vst v63  }
0x8f: {  	s17 =	sand.u32 $0xFFFF, s13;
	s16 =	smul.u32 $0xC80, s19;
	s13 =	smov.u32 s14  }
0x90: {  	s14 =	sadd.s32 $0x1, s14;
	s18 =	smul.u32 $0x140, s17  }
0x91: {  	s14 =	sshrl.u32 s15, $0x13;
	s29 =	smul.u32 $0x2800, s17  }
0x92: {  	s16 =	sshrl.u32 s16, $0x2;
	s30 =	smul.u32 $0xA, s14;
	s18 =	sshrl.u32 s18, $0x2  }
0x93: {  	s15 =	sshrl.u32 s29, $0x2;
	s16 =	sadd.s32 s18, s16  }
0x94: {  	s13 =	ssub.s32 s13, s30;
	s15 =	sadd.s32 $0x16A80, s15;
	s16 =	sadd.s32 $0xB540, s16  }
0x95: {  	[tilespmem:s15], [sflag:$0x1] =	stream.indirect.gather.add.f32 [hbm:s3], $0x20, s16, s9, $0xb8;
	[tilespmem:$0x1CE80] =	vst v63  }
0x96: {  	s14 =	smul.u32 $0xC80, s14;
	s13 =	sand.u32 $0xFFFF, s13  }
0x97: {  	s31 =	smul.u32 $0x140, s13  }
0x98: {  	s13 =	smul.u32 $0x2800, s13  }
0x99: {  	s14 =	sshrl.u32 s14, $0x2;
	s15 =	sshrl.u32 s31, $0x2  }
0x9a: {  	s13 =	sshrl.u32 s13, $0x2;
	s14 =	sadd.s32 s15, s14  }
0x9b: {  	s13 =	sadd.s32 $0x16A80, s13;
	s14 =	sadd.s32 $0xB540, s14  }
0x9c: {  	[tilespmem:s13], [sflag:$0x1] =	stream.indirect.gather.add.f32 [hbm:s3], $0x20, s14, s9, $0xb8;
	[tilespmem:$0x1CE80] =	vst v63  }
0x9d: {  	_ =	swait.ge [sflag:s10], $0xA00  }
0x9e: {  	s13 =	simm.s32 $0x207;
	[sflag:s10] =	ssyncset.done $0x0  }
.LBB2_16:
0x9f: {  	p0 =	sne.s32 s13, $0x1;
	s13 =	sadd.s32 $0xFFFFFFFF, s13;
	[sflag:s10] =	ssyncadd.s32 $0xFFFFF600  }
.Ltmp7:
0xa0: {  	(pc) =	sbr.rel @p0 .LBB2_16-.Ltmp7, $3  }
0xa1: {  	_ =	sdelay $0x1  }
0xa2: {  	_ =	swait.ge [sflag:s10], $0xA00  }
0xa3: {  	[sflag:s10] =	ssyncset.done $0x0  }
0xa4: {  	s12 =	sadd.s32 $0x1, s12  }
0xa5: {  	p0 =	sne.s32 s12, s7  }
.Ltmp8:
0xa6: {  	[sflag:s10] =	ssyncadd.s32 $0xFFFFF600;
	(pc) =	sbr.rel @p0 .LBB2_1-.Ltmp8, $4  }
0xa7: {  	[hbm4b:s6+s2] =	stream.linear.scatter [tilespmem:s11], [sflag:$0x2], $0xC800, $0x38;
	[tilespmem:$0x1CE80] =	vst v63  }
0xa8: {  	_ =	swait.ge [sflag:s8], $0xC800  }
0xa9: {  	[sflag:s8] =	ssyncset.done $0x0  }
0xaa: {  	[sflag:s8] =	ssyncadd.s32 $0xFFFF3800  }
0xab: {  	_ =	sfence.sel $0x180000  }
0xac: {  	[bflag:$0x0] =	sbarrier.arrive $0xFFFF  }
0xad: {  	p0 =	sne.s32 s0, $0x0;
	_ =	strace $0x90000047  }
0xae: {  	s0 =	sadd.s32 @!p0 $0x100000, s1;
	[bflag:$0x2] =	sbarrier.arrive $0xFFFF  }
0xaf: {  	[sflag:s0] =	ssyncadd.tile.s32 @!p0 $0x1;
	_ =	shalt  }
.Lfunc_end2:
_tile_overlayer_lowered:
.L_overlay_start_2:
0xb0: {  	(tag) =	ssettag $0x2  }
0xb1: {  	s0 =	rddreg [dreg:$0x0];
	s2 =	stileid.u32  }
0xb2: {  	s1 =	rddreg [dreg:$0x1];
	p0 =	sne.s32 s2, $0x0  }
0xb3: {  	s3 =	rddreg [dreg:$0x2];
	[bflag:$0x3] =	sbarrier.arrive $0xFFFF;
	s2 =	simm.s32 @!p0 $0x1C02  }
0xb4: {  	[timem:s3], [sflag:s2] =	dma.local @!p0 [hbm:s0], s1  }
0xb5: {  	s0 =	simm.s32 @!p0 $0x2  }
0xb6: {  	_ =	swait.ge @!p0 [sflag:s0], s1  }
0xb7: {  	s1 =	ssub.s32 @!p0 $0x0, s1;
	[sflag:s0] =	ssyncset.done @!p0 $0x0  }
0xb8: {  	[sflag:s0] =	ssyncadd.s32 @!p0 s1  }
0xb9: {  	[bflag:$0x3] =	sbarrier.arrive $0xFFFF  }
0xba: {  	_ =	shalt  }

</sc_bundles>
